<compile_context>
chip_gen: v7x
topology: tpu7x:2x2x1
jax: 0.10.2.dev20260603
libtpu: 0.0.44.dev20260713+nightly
codegen_flags: <defaults>
</compile_context>

<pallas_src>
import functools

import jax
import jax.numpy as jnp
from jax import lax
from jax.experimental import pallas as pl
from jax.experimental.pallas import tpu as pltpu
from jax.experimental.pallas import tpu_sc as plsc

_B, _C, _N = 8, 190, 16384
_NC, _NS, _L = 2, 16, 16
_NW = _NC * _NS

_N_SC = 4096
_W = _N_SC // _NW
_NG = _W // _L
_NSTRIPE = 4
_CS = _C // _NSTRIPE
_TOTAL = _B

_NB1 = 2048
_N_TC1 = 10240
_NB2 = 2048
_N_TC2 = _N - _N_SC - _N_TC1

_mesh = plsc.VectorSubcoreMesh(core_axis_name="c", subcore_axis_name="s")


def _merge(a, b):
    a1, a2 = a
    b1, b2 = b
    hi = jnp.maximum(a1, b1)
    lo = jnp.maximum(jnp.minimum(a1, b1), jnp.maximum(a2, b2))
    return hi, lo


@functools.partial(
    pl.kernel,
    mesh=_mesh,
    out_type=jax.ShapeDtypeStruct((_NW, _B, _L), jnp.float32),
    scratch_types=[
        pltpu.VMEM((2, _C, _W), jnp.float32),
        pltpu.VMEM((_B, _L), jnp.float32),
        pltpu.SemaphoreType.DMA,
    ],
)
def _sc_conf(sim_hbm, out_hbm, bufall, acc_v, sem):
    wid = lax.axis_index("s") * _NC + lax.axis_index("c")
    tok0 = wid * _W
    neg = jnp.full((_L,), -jnp.inf, jnp.float32)

    def chunk_copy(b):
        par = lax.rem(b, 2)
        return pltpu.make_async_copy(
            sim_hbm.at[b, :, pl.ds(tok0, _W)], bufall.at[par], sem
        )

    chunk_copy(0).start()
    for b0 in range(_B):
        acc_v[b0, :] = jnp.zeros((_L,), jnp.float32)

    def chunk_body(b, _):
        chunk_copy(b).wait()

        @pl.when(b + 1 < _TOTAL)
        def _start_next():
            chunk_copy(b + 1).start()

        par = lax.rem(b, 2)

        def group_body(g, acc):
            sl = pl.ds(g * _L, _L)

            def chan_body(c, carry):
                new = []
                for s in range(_NSTRIPE):
                    v = bufall[par, c * _NSTRIPE + s, sl]
                    m1, m2 = carry[s]
                    m2 = jnp.maximum(m2, jnp.minimum(m1, v))
                    m1 = jnp.maximum(m1, v)
                    new.append((m1, m2))
                return tuple(new)

            init = tuple((neg, neg) for _ in range(_NSTRIPE))
            stripes = lax.fori_loop(0, _CS, chan_body, init)
            m1, m2 = stripes[0]
            for s in range(1, _NSTRIPE):
                m1, m2 = _merge((m1, m2), stripes[s])
            for c in range(_CS * _NSTRIPE, _C):
                v = bufall[par, c, sl]
                m2 = jnp.maximum(m2, jnp.minimum(m1, v))
                m1 = jnp.maximum(m1, v)
            conf = jnp.exp(1.0 - m1 / (m2 + 1e-8))
            return acc + conf

        acc = lax.fori_loop(0, _NG, group_body, jnp.zeros((_L,), jnp.float32))
        acc_v[b, :] = acc_v[b, :] + acc
        return 0

    lax.fori_loop(0, _TOTAL, chunk_body, 0)
    pltpu.sync_copy(acc_v, out_hbm.at[wid])


def _tc_body(x_ref, out_ref):
    x = x_ref[0]
    m1 = jnp.max(x, axis=0)
    is_max = x == m1[None, :]
    cnt = jnp.sum(is_max.astype(jnp.float32), axis=0)
    neg = jnp.float32(-jnp.inf)
    m2c = jnp.max(jnp.where(is_max, neg, x), axis=0)
    m2 = jnp.where(cnt > 1.0, m1, m2c)
    conf = jnp.exp(1.0 - m1 / (m2 + 1e-8))
    out_ref[0, 0, :] = conf


def _tc_call(sim_mat, tok_start, n_tok, nb):
    nblk = n_tok // nb
    blk0 = tok_start // nb
    return pl.pallas_call(
        _tc_body,
        grid=(_B, nblk),
        in_specs=[pl.BlockSpec((1, _C, nb), lambda b, n: (b, 0, n + blk0))],
        out_specs=pl.BlockSpec((1, 1, nb), lambda b, n: (b * nblk + n, 0, 0)),
        out_shape=jax.ShapeDtypeStruct((_B * nblk, 1, nb), jnp.float32),
    )(sim_mat).reshape(_B, nblk * nb)


def kernel(sim_mat):
    sc_out = _sc_conf(sim_mat)
    tc1 = _tc_call(sim_mat, _N_SC, _N_TC1, _NB1)
    tc2 = _tc_call(sim_mat, _N_SC + _N_TC1, _N_TC2, _NB2)
    total = sc_out.sum(axis=(0, 2)) + tc1.sum(axis=-1) + tc2.sum(axis=-1)
    return total / _N

# --- scband reference (transcript-rebuilt; emitter-appended) ---
"""Pipeline reference for scband-confidence-loss-1236950581868 (READ-ONLY COPY).

The authoritative reference and input builder live on the scoring server;
editing this copy changes nothing except your own understanding.
"""

import jax, jax.numpy as jnp
import numpy as np


def setup_inputs(seed: int = 0) -> dict:
    key = jax.random.key(seed)
    sim_mat = jax.random.normal(key, (8, 190, 16384), dtype=jnp.float32)
    return {"sim_mat": sim_mat}


def reference(sim_mat):
    # torch: sim_mat.topk(k=2, dim=1) -> values [B, 2, N]
    # jax.lax.top_k operates on the last axis, so move dim 1 to the end.
    sm = jnp.transpose(sim_mat, (0, 2, 1))  # [B, N, C]
    vals, _ = jax.lax.top_k(sm, 2)          # [B, N, 2]
    score0 = vals[..., 0]                    # [B, N] (top-1)
    score1 = vals[..., 1]                    # [B, N] (top-2)
    confidence = score0 / (score1 + 1e-08)
    confidence = jnp.exp(1.0 - confidence).mean(axis=-1)  # [B]
    return confidence

if __name__ == "__main__":
    import jax
    _d = setup_inputs()
    print(jax.jit(kernel)(*tuple(_d.values())))

</pallas_src>

<mosaic_0001>
#map = affine_map<(d0, d1) -> (0, 0, 0)>
module attributes {stable_mosaic.version = 14 : i64} {
  func.func @_sc_conf(%arg0: i32, %arg1: i32, %arg2: memref<8x190x16384xf32, #tpu.memory_space<hbm>>, %arg3: memref<32x8x16xf32, #tpu.memory_space<hbm>>, %arg4: memref<2x190x128xf32, #tpu.memory_space<vmem>>, %arg5: memref<8x16xf32, #tpu.memory_space<vmem>>, %arg6: memref<!tpu.dma_semaphore, #tpu.memory_space<semaphore_mem>>) attributes {dimension_semantics = [#tpu.dimension_semantics<core_parallel>, #tpu.dimension_semantics<subcore_parallel>], iteration_bounds = array<i64: 2, 16>, scalar_prefetch = 0 : i64, scratch_operands = 3 : i64, tpu.core_type = #tpu.core_type<sc_vector_subcore>, window_params = [{transform_indices = #map}, {transform_indices = #map}]} {
    %mul3A = arith.constant 2 : i32
    %mul3A_0 = arith.muli %arg1, %mul3A : i32
    %add3A = arith.addi %mul3A_0, %arg0 : i32
    %mul3A_1 = arith.constant 128 : i32
    %mul3A_2 = arith.muli %add3A, %mul3A_1 : i32
    %broadcast_in_dim3A = arith.constant 0xFF800000 : f32
    %broadcast_in_dim3A_3 = vector.broadcast %broadcast_in_dim3A : f32 to vector<16xf32>
    %rem3A = arith.constant 0 : i32
    %rem3A_4 = arith.constant 2 : i32
    %rem3A_5 = arith.remsi %rem3A, %rem3A_4 : i32
    %dma_start3A = arith.constant 0 : i32
    %dma_start3A_6 = arith.constant 0 : i32
    %dma_start3A_7 = arith.constant 0 : i32
    %dma_start3A_8 = tpu.memref_slice %arg4[%rem3A_5, %dma_start3A_6, %dma_start3A_7] : memref<2x190x128xf32, #tpu.memory_space<vmem>> -> memref<1x190x128xf32, #tpu.memory_space<vmem>>
    %dma_start3A_9 = tpu.memref_squeeze %dma_start3A_8 : memref<1x190x128xf32, #tpu.memory_space<vmem>> -> memref<190x128xf32, #tpu.memory_space<vmem>>
    %dma_start3A_10 = arith.constant 0 : i32
    %dma_start3A_11 = tpu.memref_slice %arg2[%dma_start3A, %dma_start3A_10, %mul3A_2] : memref<8x190x16384xf32, #tpu.memory_space<hbm>> -> memref<1x190x128xf32, #tpu.memory_space<hbm>>
    %dma_start3A_12 = tpu.memref_squeeze %dma_start3A_11 : memref<1x190x128xf32, #tpu.memory_space<hbm>> -> memref<190x128xf32, #tpu.memory_space<hbm>>
    %dma_start3A_13 = arith.constant 0 : i32
    %dma_start3A_14 = arith.constant 0 : i32
    %dma_start3A_15 = tpu.memref_slice %arg4[%rem3A_5, %dma_start3A_13, %dma_start3A_14] : memref<2x190x128xf32, #tpu.memory_space<vmem>> -> memref<1x190x128xf32, #tpu.memory_space<vmem>>
    %dma_start3A_16 = tpu.memref_squeeze %dma_start3A_15 : memref<1x190x128xf32, #tpu.memory_space<vmem>> -> memref<190x128xf32, #tpu.memory_space<vmem>>
    %dma_start3A_17 = arith.constant 0 : i32
    %dma_start3A_18 = tpu.memref_slice %arg2[%dma_start3A, %dma_start3A_17, %mul3A_2] : memref<8x190x16384xf32, #tpu.memory_space<hbm>> -> memref<1x190x128xf32, #tpu.memory_space<hbm>>
    %dma_start3A_19 = tpu.memref_squeeze %dma_start3A_18 : memref<1x190x128xf32, #tpu.memory_space<hbm>> -> memref<190x128xf32, #tpu.memory_space<hbm>>
    tpu.enqueue_dma source(%dma_start3A_19 : memref<190x128xf32, #tpu.memory_space<hbm>>) target(%dma_start3A_16 : memref<190x128xf32, #tpu.memory_space<vmem>>) target_semaphore(%arg6 : memref<!tpu.dma_semaphore, #tpu.memory_space<semaphore_mem>>)
    %broadcast_in_dim3A_20 = arith.constant 0.000000e+00 : f32
    %broadcast_in_dim3A_21 = vector.broadcast %broadcast_in_dim3A_20 : f32 to vector<16xf32>
    %swap3A = arith.constant 0 : i32
    %swap3A_22 = arith.index_cast %swap3A : i32 to index
    %swap3A_23 = arith.constant 0 : index
    %swap3A_24 = tpu.vector_load %arg5[%swap3A_22, %swap3A_23] {strides = array<i32>} : memref<8x16xf32, #tpu.memory_space<vmem>>, vector<1x16xf32>,
    %swap3A_25 = vector.shape_cast %swap3A_24 : vector<1x16xf32> to vector<16xf32>
    %swap3A_26 = vector.shape_cast %broadcast_in_dim3A_21 : vector<16xf32> to vector<1x16xf32>
    tpu.vector_store %arg5[%swap3A_22, %swap3A_23], %swap3A_26 {strides = array<i32>} : memref<8x16xf32, #tpu.memory_space<vmem>>, vector<1x16xf32>,
    %broadcast_in_dim3A_27 = arith.constant 0.000000e+00 : f32
    %broadcast_in_dim3A_28 = vector.broadcast %broadcast_in_dim3A_27 : f32 to vector<16xf32>
    %swap3A_29 = arith.constant 1 : i32
    %swap3A_30 = arith.index_cast %swap3A_29 : i32 to index
    %swap3A_31 = arith.constant 0 : index
    %swap3A_32 = tpu.vector_load %arg5[%swap3A_30, %swap3A_31] {strides = array<i32>} : memref<8x16xf32, #tpu.memory_space<vmem>>, vector<1x16xf32>,
    %swap3A_33 = vector.shape_cast %swap3A_32 : vector<1x16xf32> to vector<16xf32>
    %swap3A_34 = vector.shape_cast %broadcast_in_dim3A_28 : vector<16xf32> to vector<1x16xf32>
    tpu.vector_store %arg5[%swap3A_30, %swap3A_31], %swap3A_34 {strides = array<i32>} : memref<8x16xf32, #tpu.memory_space<vmem>>, vector<1x16xf32>,
    %broadcast_in_dim3A_35 = arith.constant 0.000000e+00 : f32
    %broadcast_in_dim3A_36 = vector.broadcast %broadcast_in_dim3A_35 : f32 to vector<16xf32>
    %swap3A_37 = arith.constant 2 : i32
    %swap3A_38 = arith.index_cast %swap3A_37 : i32 to index
    %swap3A_39 = arith.constant 0 : index
    %swap3A_40 = tpu.vector_load %arg5[%swap3A_38, %swap3A_39] {strides = array<i32>} : memref<8x16xf32, #tpu.memory_space<vmem>>, vector<1x16xf32>,
    %swap3A_41 = vector.shape_cast %swap3A_40 : vector<1x16xf32> to vector<16xf32>
    %swap3A_42 = vector.shape_cast %broadcast_in_dim3A_36 : vector<16xf32> to vector<1x16xf32>
    tpu.vector_store %arg5[%swap3A_38, %swap3A_39], %swap3A_42 {strides = array<i32>} : memref<8x16xf32, #tpu.memory_space<vmem>>, vector<1x16xf32>,
    %broadcast_in_dim3A_43 = arith.constant 0.000000e+00 : f32
    %broadcast_in_dim3A_44 = vector.broadcast %broadcast_in_dim3A_43 : f32 to vector<16xf32>
    %swap3A_45 = arith.constant 3 : i32
    %swap3A_46 = arith.index_cast %swap3A_45 : i32 to index
    %swap3A_47 = arith.constant 0 : index
    %swap3A_48 = tpu.vector_load %arg5[%swap3A_46, %swap3A_47] {strides = array<i32>} : memref<8x16xf32, #tpu.memory_space<vmem>>, vector<1x16xf32>,
    %swap3A_49 = vector.shape_cast %swap3A_48 : vector<1x16xf32> to vector<16xf32>
    %swap3A_50 = vector.shape_cast %broadcast_in_dim3A_44 : vector<16xf32> to vector<1x16xf32>
    tpu.vector_store %arg5[%swap3A_46, %swap3A_47], %swap3A_50 {strides = array<i32>} : memref<8x16xf32, #tpu.memory_space<vmem>>, vector<1x16xf32>,
    %broadcast_in_dim3A_51 = arith.constant 0.000000e+00 : f32
    %broadcast_in_dim3A_52 = vector.broadcast %broadcast_in_dim3A_51 : f32 to vector<16xf32>
    %swap3A_53 = arith.constant 4 : i32
    %swap3A_54 = arith.index_cast %swap3A_53 : i32 to index
    %swap3A_55 = arith.constant 0 : index
    %swap3A_56 = tpu.vector_load %arg5[%swap3A_54, %swap3A_55] {strides = array<i32>} : memref<8x16xf32, #tpu.memory_space<vmem>>, vector<1x16xf32>,
    %swap3A_57 = vector.shape_cast %swap3A_56 : vector<1x16xf32> to vector<16xf32>
    %swap3A_58 = vector.shape_cast %broadcast_in_dim3A_52 : vector<16xf32> to vector<1x16xf32>
    tpu.vector_store %arg5[%swap3A_54, %swap3A_55], %swap3A_58 {strides = array<i32>} : memref<8x16xf32, #tpu.memory_space<vmem>>, vector<1x16xf32>,
    %broadcast_in_dim3A_59 = arith.constant 0.000000e+00 : f32
    %broadcast_in_dim3A_60 = vector.broadcast %broadcast_in_dim3A_59 : f32 to vector<16xf32>
    %swap3A_61 = arith.constant 5 : i32
    %swap3A_62 = arith.index_cast %swap3A_61 : i32 to index
    %swap3A_63 = arith.constant 0 : index
    %swap3A_64 = tpu.vector_load %arg5[%swap3A_62, %swap3A_63] {strides = array<i32>} : memref<8x16xf32, #tpu.memory_space<vmem>>, vector<1x16xf32>,
    %swap3A_65 = vector.shape_cast %swap3A_64 : vector<1x16xf32> to vector<16xf32>
    %swap3A_66 = vector.shape_cast %broadcast_in_dim3A_60 : vector<16xf32> to vector<1x16xf32>
    tpu.vector_store %arg5[%swap3A_62, %swap3A_63], %swap3A_66 {strides = array<i32>} : memref<8x16xf32, #tpu.memory_space<vmem>>, vector<1x16xf32>,
    %broadcast_in_dim3A_67 = arith.constant 0.000000e+00 : f32
    %broadcast_in_dim3A_68 = vector.broadcast %broadcast_in_dim3A_67 : f32 to vector<16xf32>
    %swap3A_69 = arith.constant 6 : i32
    %swap3A_70 = arith.index_cast %swap3A_69 : i32 to index
    %swap3A_71 = arith.constant 0 : index
    %swap3A_72 = tpu.vector_load %arg5[%swap3A_70, %swap3A_71] {strides = array<i32>} : memref<8x16xf32, #tpu.memory_space<vmem>>, vector<1x16xf32>,
    %swap3A_73 = vector.shape_cast %swap3A_72 : vector<1x16xf32> to vector<16xf32>
    %swap3A_74 = vector.shape_cast %broadcast_in_dim3A_68 : vector<16xf32> to vector<1x16xf32>
    tpu.vector_store %arg5[%swap3A_70, %swap3A_71], %swap3A_74 {strides = array<i32>} : memref<8x16xf32, #tpu.memory_space<vmem>>, vector<1x16xf32>,
    %broadcast_in_dim3A_75 = arith.constant 0.000000e+00 : f32
    %broadcast_in_dim3A_76 = vector.broadcast %broadcast_in_dim3A_75 : f32 to vector<16xf32>
    %swap3A_77 = arith.constant 7 : i32
    %swap3A_78 = arith.index_cast %swap3A_77 : i32 to index
    %swap3A_79 = arith.constant 0 : index
    %swap3A_80 = tpu.vector_load %arg5[%swap3A_78, %swap3A_79] {strides = array<i32>} : memref<8x16xf32, #tpu.memory_space<vmem>>, vector<1x16xf32>,
    %swap3A_81 = vector.shape_cast %swap3A_80 : vector<1x16xf32> to vector<16xf32>
    %swap3A_82 = vector.shape_cast %broadcast_in_dim3A_76 : vector<16xf32> to vector<1x16xf32>
    tpu.vector_store %arg5[%swap3A_78, %swap3A_79], %swap3A_82 {strides = array<i32>} : memref<8x16xf32, #tpu.memory_space<vmem>>, vector<1x16xf32>,
    %scan3A = arith.constant 0 : i32
    %scan3A_83 = arith.constant 0 : i32
    %scan3A_84 = arith.constant 8 : i32
    %scan3A_85 = arith.addi %scan3A_83, %scan3A_84 : i32
    %scan3A_86 = arith.constant 1 : i32
    %scan3A_87 = scf.for %scan3A_89 = %scan3A_83 to %scan3A_85 step %scan3A_86 iter_args(%scan3A_90 = %scan3A) -> (i32)  : i32 {
      %rem3A_91 = arith.constant 2 : i32
      %rem3A_92 = arith.remsi %scan3A_89, %rem3A_91 : i32
      %dma_wait3A = arith.constant 0 : i32
      %dma_wait3A_93 = arith.constant 0 : i32
      %dma_wait3A_94 = tpu.memref_slice %arg4[%rem3A_92, %dma_wait3A, %dma_wait3A_93] : memref<2x190x128xf32, #tpu.memory_space<vmem>> -> memref<1x190x128xf32, #tpu.memory_space<vmem>>
      %dma_wait3A_95 = tpu.memref_squeeze %dma_wait3A_94 : memref<1x190x128xf32, #tpu.memory_space<vmem>> -> memref<190x128xf32, #tpu.memory_space<vmem>>
      %dma_wait3A_96 = arith.constant 0 : i32
      %dma_wait3A_97 = tpu.memref_slice %arg2[%scan3A_89, %dma_wait3A_96, %mul3A_2] : memref<8x190x16384xf32, #tpu.memory_space<hbm>> -> memref<1x190x128xf32, #tpu.memory_space<hbm>>
      %dma_wait3A_98 = tpu.memref_squeeze %dma_wait3A_97 : memref<1x190x128xf32, #tpu.memory_space<hbm>> -> memref<190x128xf32, #tpu.memory_space<hbm>>
      %dma_wait3A_99 = arith.constant 0 : i32
      %dma_wait3A_100 = arith.constant 0 : i32
      %dma_wait3A_101 = tpu.memref_slice %arg4[%rem3A_92, %dma_wait3A_99, %dma_wait3A_100] : memref<2x190x128xf32, #tpu.memory_space<vmem>> -> memref<1x190x128xf32, #tpu.memory_space<vmem>>
      %dma_wait3A_102 = tpu.memref_squeeze %dma_wait3A_101 : memref<1x190x128xf32, #tpu.memory_space<vmem>> -> memref<190x128xf32, #tpu.memory_space<vmem>>
      %dma_wait3A_103 = arith.constant 0 : i32
      %dma_wait3A_104 = tpu.memref_slice %arg2[%scan3A_89, %dma_wait3A_103, %mul3A_2] : memref<8x190x16384xf32, #tpu.memory_space<hbm>> -> memref<1x190x128xf32, #tpu.memory_space<hbm>>
      %dma_wait3A_105 = tpu.memref_squeeze %dma_wait3A_104 : memref<1x190x128xf32, #tpu.memory_space<hbm>> -> memref<190x128xf32, #tpu.memory_space<hbm>>
      tpu.wait_dma2 semaphore(%arg6 : memref<!tpu.dma_semaphore, #tpu.memory_space<semaphore_mem>>) src(%dma_wait3A_105 : memref<190x128xf32, #tpu.memory_space<hbm>>) dst(%dma_wait3A_102 : memref<190x128xf32, #tpu.memory_space<vmem>>)
      %add3A_106 = arith.constant 1 : i32
      %add3A_107 = arith.addi %scan3A_89, %add3A_106 : i32
      %lt3A = arith.constant 8 : i32
      %lt3A_108 = arith.cmpi slt, %add3A_107, %lt3A : i32
      %convert_element_type3A = arith.extui %lt3A_108 : i1 to i32
      %cond3A = arith.constant 0 : i32
      %cond3A_109 = arith.cmpi ne, %convert_element_type3A, %cond3A : i32
      scf.if %cond3A_109 {
        %add3A_130 = arith.constant 1 : i32
        %add3A_131 = arith.addi %scan3A_89, %add3A_130 : i32
        %rem3A_132 = arith.constant 2 : i32
        %rem3A_133 = arith.remsi %add3A_131, %rem3A_132 : i32
        %dma_start3A_134 = arith.constant 0 : i32
        %dma_start3A_135 = arith.constant 0 : i32
        %dma_start3A_136 = tpu.memref_slice %arg4[%rem3A_133, %dma_start3A_134, %dma_start3A_135] : memref<2x190x128xf32, #tpu.memory_space<vmem>> -> memref<1x190x128xf32, #tpu.memory_space<vmem>>
        %dma_start3A_137 = tpu.memref_squeeze %dma_start3A_136 : memref<1x190x128xf32, #tpu.memory_space<vmem>> -> memref<190x128xf32, #tpu.memory_space<vmem>>
        %dma_start3A_138 = arith.constant 0 : i32
        %dma_start3A_139 = tpu.memref_slice %arg2[%add3A_131, %dma_start3A_138, %mul3A_2] : memref<8x190x16384xf32, #tpu.memory_space<hbm>> -> memref<1x190x128xf32, #tpu.memory_space<hbm>>
        %dma_start3A_140 = tpu.memref_squeeze %dma_start3A_139 : memref<1x190x128xf32, #tpu.memory_space<hbm>> -> memref<190x128xf32, #tpu.memory_space<hbm>>
        %dma_start3A_141 = arith.constant 0 : i32
        %dma_start3A_142 = arith.constant 0 : i32
        %dma_start3A_143 = tpu.memref_slice %arg4[%rem3A_133, %dma_start3A_141, %dma_start3A_142] : memref<2x190x128xf32, #tpu.memory_space<vmem>> -> memref<1x190x128xf32, #tpu.memory_space<vmem>>
        %dma_start3A_144 = tpu.memref_squeeze %dma_start3A_143 : memref<1x190x128xf32, #tpu.memory_space<vmem>> -> memref<190x128xf32, #tpu.memory_space<vmem>>
        %dma_start3A_145 = arith.constant 0 : i32
        %dma_start3A_146 = tpu.memref_slice %arg2[%add3A_131, %dma_start3A_145, %mul3A_2] : memref<8x190x16384xf32, #tpu.memory_space<hbm>> -> memref<1x190x128xf32, #tpu.memory_space<hbm>>
        %dma_start3A_147 = tpu.memref_squeeze %dma_start3A_146 : memref<1x190x128xf32, #tpu.memory_space<hbm>> -> memref<190x128xf32, #tpu.memory_space<hbm>>
        tpu.enqueue_dma source(%dma_start3A_147 : memref<190x128xf32, #tpu.memory_space<hbm>>) target(%dma_start3A_144 : memref<190x128xf32, #tpu.memory_space<vmem>>) target_semaphore(%arg6 : memref<!tpu.dma_semaphore, #tpu.memory_space<semaphore_mem>>)
      } else {
      }
      %rem3A_110 = arith.constant 2 : i32
      %rem3A_111 = arith.remsi %scan3A_89, %rem3A_110 : i32
      %broadcast_in_dim3A_112 = arith.constant 0.000000e+00 : f32
      %broadcast_in_dim3A_113 = vector.broadcast %broadcast_in_dim3A_112 : f32 to vector<16xf32>
      %scan3A_114 = arith.constant 0 : i32
      %scan3A_115 = arith.constant 8 : i32
      %scan3A_116 = arith.addi %scan3A_114, %scan3A_115 : i32
      %scan3A_117 = arith.constant 1 : i32
      %scan3A_118 = scf.for %scan3A_130 = %scan3A_114 to %scan3A_116 step %scan3A_117 iter_args(%scan3A_131 = %broadcast_in_dim3A_113) -> (vector<16xf32>)  : i32 {
        %mul3A_132 = arith.constant 16 : i32
        %mul3A_133 = arith.muli %scan3A_130, %mul3A_132 : i32
        %scan3A_134 = arith.constant 0 : i32
        %scan3A_135 = arith.constant 47 : i32
        %scan3A_136 = arith.addi %scan3A_134, %scan3A_135 : i32
        %scan3A_137 = arith.constant 1 : i32
        %scan3A_138:8 = scf.for %scan3A_174 = %scan3A_134 to %scan3A_136 step %scan3A_137 iter_args(%scan3A_175 = %broadcast_in_dim3A_3, %scan3A_176 = %broadcast_in_dim3A_3, %scan3A_177 = %broadcast_in_dim3A_3, %scan3A_178 = %broadcast_in_dim3A_3, %scan3A_179 = %broadcast_in_dim3A_3, %scan3A_180 = %broadcast_in_dim3A_3, %scan3A_181 = %broadcast_in_dim3A_3, %scan3A_182 = %broadcast_in_dim3A_3) -> (vector<16xf32>, vector<16xf32>, vector<16xf32>, vector<16xf32>, vector<16xf32>, vector<16xf32>, vector<16xf32>, vector<16xf32>)  : i32 {
          %mul3A_183 = arith.constant 4 : i32
          %mul3A_184 = arith.muli %scan3A_174, %mul3A_183 : i32
          %add3A_185 = arith.constant 0 : i32
          %add3A_186 = arith.addi %mul3A_184, %add3A_185 : i32
          %get3A_187 = arith.index_cast %rem3A_111 : i32 to index
          %get3A_188 = arith.index_cast %add3A_186 : i32 to index
          %get3A_189 = arith.index_cast %mul3A_133 : i32 to index
          %get3A_190 = tpu.vector_load %arg4[%get3A_187, %get3A_188, %get3A_189] {strides = array<i32>} : memref<2x190x128xf32, #tpu.memory_space<vmem>>, vector<1x1x16xf32>,
          %get3A_191 = vector.shape_cast %get3A_190 : vector<1x1x16xf32> to vector<16xf32>
          %min3A_192 = arith.minimumf %scan3A_175, %get3A_191 : vector<16xf32>
          %max3A_193 = arith.maximumf %scan3A_176, %min3A_192 : vector<16xf32>
          %max3A_194 = arith.maximumf %scan3A_175, %get3A_191 : vector<16xf32>
          %mul3A_195 = arith.constant 4 : i32
          %mul3A_196 = arith.muli %scan3A_174, %mul3A_195 : i32
          %add3A_197 = arith.constant 1 : i32
          %add3A_198 = arith.addi %mul3A_196, %add3A_197 : i32
          %get3A_199 = arith.index_cast %rem3A_111 : i32 to index
          %get3A_200 = arith.index_cast %add3A_198 : i32 to index
          %get3A_201 = arith.index_cast %mul3A_133 : i32 to index
          %get3A_202 = tpu.vector_load %arg4[%get3A_199, %get3A_200, %get3A_201] {strides = array<i32>} : memref<2x190x128xf32, #tpu.memory_space<vmem>>, vector<1x1x16xf32>,
          %get3A_203 = vector.shape_cast %get3A_202 : vector<1x1x16xf32> to vector<16xf32>
          %min3A_204 = arith.minimumf %scan3A_177, %get3A_203 : vector<16xf32>
          %max3A_205 = arith.maximumf %scan3A_178, %min3A_204 : vector<16xf32>
          %max3A_206 = arith.maximumf %scan3A_177, %get3A_203 : vector<16xf32>
          %mul3A_207 = arith.constant 4 : i32
          %mul3A_208 = arith.muli %scan3A_174, %mul3A_207 : i32
          %add3A_209 = arith.constant 2 : i32
          %add3A_210 = arith.addi %mul3A_208, %add3A_209 : i32
          %get3A_211 = arith.index_cast %rem3A_111 : i32 to index
          %get3A_212 = arith.index_cast %add3A_210 : i32 to index
          %get3A_213 = arith.index_cast %mul3A_133 : i32 to index
          %get3A_214 = tpu.vector_load %arg4[%get3A_211, %get3A_212, %get3A_213] {strides = array<i32>} : memref<2x190x128xf32, #tpu.memory_space<vmem>>, vector<1x1x16xf32>,
          %get3A_215 = vector.shape_cast %get3A_214 : vector<1x1x16xf32> to vector<16xf32>
          %min3A_216 = arith.minimumf %scan3A_179, %get3A_215 : vector<16xf32>
          %max3A_217 = arith.maximumf %scan3A_180, %min3A_216 : vector<16xf32>
          %max3A_218 = arith.maximumf %scan3A_179, %get3A_215 : vector<16xf32>
          %mul3A_219 = arith.constant 4 : i32
          %mul3A_220 = arith.muli %scan3A_174, %mul3A_219 : i32
          %add3A_221 = arith.constant 3 : i32
          %add3A_222 = arith.addi %mul3A_220, %add3A_221 : i32
          %get3A_223 = arith.index_cast %rem3A_111 : i32 to index
          %get3A_224 = arith.index_cast %add3A_222 : i32 to index
          %get3A_225 = arith.index_cast %mul3A_133 : i32 to index
          %get3A_226 = tpu.vector_load %arg4[%get3A_223, %get3A_224, %get3A_225] {strides = array<i32>} : memref<2x190x128xf32, #tpu.memory_space<vmem>>, vector<1x1x16xf32>,
          %get3A_227 = vector.shape_cast %get3A_226 : vector<1x1x16xf32> to vector<16xf32>
          %min3A_228 = arith.minimumf %scan3A_181, %get3A_227 : vector<16xf32>
          %max3A_229 = arith.maximumf %scan3A_182, %min3A_228 : vector<16xf32>
          %max3A_230 = arith.maximumf %scan3A_181, %get3A_227 : vector<16xf32>
          scf.yield %max3A_194, %max3A_193, %max3A_206, %max3A_205, %max3A_218, %max3A_217, %max3A_230, %max3A_229 : vector<16xf32>, vector<16xf32>, vector<16xf32>, vector<16xf32>, vector<16xf32>, vector<16xf32>, vector<16xf32>, vector<16xf32>
        }
        %scan3A_139 = arith.constant 47 : i32
        %max3A = arith.maximumf %scan3A_138#0, %scan3A_138#2 : vector<16xf32>
        %min3A = arith.minimumf %scan3A_138#0, %scan3A_138#2 : vector<16xf32>
        %max3A_140 = arith.maximumf %scan3A_138#1, %scan3A_138#3 : vector<16xf32>
        %max3A_141 = arith.maximumf %min3A, %max3A_140 : vector<16xf32>
        %max3A_142 = arith.maximumf %max3A, %scan3A_138#4 : vector<16xf32>
        %min3A_143 = arith.minimumf %max3A, %scan3A_138#4 : vector<16xf32>
        %max3A_144 = arith.maximumf %max3A_141, %scan3A_138#5 : vector<16xf32>
        %max3A_145 = arith.maximumf %min3A_143, %max3A_144 : vector<16xf32>
        %max3A_146 = arith.maximumf %max3A_142, %scan3A_138#6 : vector<16xf32>
        %min3A_147 = arith.minimumf %max3A_142, %scan3A_138#6 : vector<16xf32>
        %max3A_148 = arith.maximumf %max3A_145, %scan3A_138#7 : vector<16xf32>
        %max3A_149 = arith.maximumf %min3A_147, %max3A_148 : vector<16xf32>
        %get3A_150 = arith.constant 188 : i32
        %get3A_151 = arith.index_cast %rem3A_111 : i32 to index
        %get3A_152 = arith.index_cast %get3A_150 : i32 to index
        %get3A_153 = arith.index_cast %mul3A_133 : i32 to index
        %get3A_154 = tpu.vector_load %arg4[%get3A_151, %get3A_152, %get3A_153] {strides = array<i32>} : memref<2x190x128xf32, #tpu.memory_space<vmem>>, vector<1x1x16xf32>,
        %get3A_155 = vector.shape_cast %get3A_154 : vector<1x1x16xf32> to vector<16xf32>
        %min3A_156 = arith.minimumf %max3A_146, %get3A_155 : vector<16xf32>
        %max3A_157 = arith.maximumf %max3A_149, %min3A_156 : vector<16xf32>
        %max3A_158 = arith.maximumf %max3A_146, %get3A_155 : vector<16xf32>
        %get3A_159 = arith.constant 189 : i32
        %get3A_160 = arith.index_cast %rem3A_111 : i32 to index
        %get3A_161 = arith.index_cast %get3A_159 : i32 to index
        %get3A_162 = arith.index_cast %mul3A_133 : i32 to index
        %get3A_163 = tpu.vector_load %arg4[%get3A_160, %get3A_161, %get3A_162] {strides = array<i32>} : memref<2x190x128xf32, #tpu.memory_space<vmem>>, vector<1x1x16xf32>,
        %get3A_164 = vector.shape_cast %get3A_163 : vector<1x1x16xf32> to vector<16xf32>
        %min3A_165 = arith.minimumf %max3A_158, %get3A_164 : vector<16xf32>
        %max3A_166 = arith.maximumf %max3A_157, %min3A_165 : vector<16xf32>
        %max3A_167 = arith.maximumf %max3A_158, %get3A_164 : vector<16xf32>
        %add3A_168 = arith.constant 9.99999993E-9 : f32
        %add3A_169 = vector.broadcast %add3A_168 : f32 to vector<16xf32>
        %add3A_170 = arith.addf %max3A_166, %add3A_169 : vector<16xf32>
        %div3A = arith.divf %max3A_167, %add3A_170 : vector<16xf32>
        %sub3A = arith.constant 1.000000e+00 : f32
        %sub3A_171 = vector.broadcast %sub3A : f32 to vector<16xf32>
        %sub3A_172 = arith.subf %sub3A_171, %div3A : vector<16xf32>
        %exp3A = math.exp %sub3A_172 : vector<16xf32>
        %add3A_173 = arith.addf %scan3A_131, %exp3A : vector<16xf32>
        scf.yield %add3A_173 : vector<16xf32>
      }
      %scan3A_119 = arith.constant 8 : i32
      %get3A = arith.index_cast %scan3A_89 : i32 to index
      %get3A_120 = arith.constant 0 : index
      %get3A_121 = tpu.vector_load %arg5[%get3A, %get3A_120] {strides = array<i32>} : memref<8x16xf32, #tpu.memory_space<vmem>>, vector<1x16xf32>,
      %get3A_122 = vector.shape_cast %get3A_121 : vector<1x16xf32> to vector<16xf32>
      %add3A_123 = arith.addf %get3A_122, %scan3A_118 : vector<16xf32>
      %swap3A_124 = arith.index_cast %scan3A_89 : i32 to index
      %swap3A_125 = arith.constant 0 : index
      %swap3A_126 = tpu.vector_load %arg5[%swap3A_124, %swap3A_125] {strides = array<i32>} : memref<8x16xf32, #tpu.memory_space<vmem>>, vector<1x16xf32>,
      %swap3A_127 = vector.shape_cast %swap3A_126 : vector<1x16xf32> to vector<16xf32>
      %swap3A_128 = vector.shape_cast %add3A_123 : vector<16xf32> to vector<1x16xf32>
      tpu.vector_store %arg5[%swap3A_124, %swap3A_125], %swap3A_128 {strides = array<i32>} : memref<8x16xf32, #tpu.memory_space<vmem>>, vector<1x16xf32>,
      %scan3A_129 = arith.constant 0 : i32
      scf.yield %scan3A_129 : i32
    }
    %scan3A_88 = arith.constant 8 : i32
    "tpu.region"() ({
      %run_scoped3A = tpu.sem_alloc : memref<!tpu.dma_semaphore, #tpu.memory_space<semaphore_mem>>
      %dma_start3A_89 = arith.constant 0 : i32
      %dma_start3A_90 = arith.constant 0 : i32
      %dma_start3A_91 = tpu.memref_slice %arg3[%add3A, %dma_start3A_89, %dma_start3A_90] : memref<32x8x16xf32, #tpu.memory_space<hbm>> -> memref<1x8x16xf32, #tpu.memory_space<hbm>>
      %dma_start3A_92 = tpu.memref_squeeze %dma_start3A_91 : memref<1x8x16xf32, #tpu.memory_space<hbm>> -> memref<8x16xf32, #tpu.memory_space<hbm>>
      %dma_start3A_93 = arith.constant 0 : i32
      %dma_start3A_94 = arith.constant 0 : i32
      %dma_start3A_95 = tpu.memref_slice %arg3[%add3A, %dma_start3A_93, %dma_start3A_94] : memref<32x8x16xf32, #tpu.memory_space<hbm>> -> memref<1x8x16xf32, #tpu.memory_space<hbm>>
      %dma_start3A_96 = tpu.memref_squeeze %dma_start3A_95 : memref<1x8x16xf32, #tpu.memory_space<hbm>> -> memref<8x16xf32, #tpu.memory_space<hbm>>
      tpu.enqueue_dma source(%arg5 : memref<8x16xf32, #tpu.memory_space<vmem>>) target(%dma_start3A_96 : memref<8x16xf32, #tpu.memory_space<hbm>>) target_semaphore(%run_scoped3A : memref<!tpu.dma_semaphore, #tpu.memory_space<semaphore_mem>>)
      %dma_wait3A = arith.constant 0 : i32
      %dma_wait3A_97 = arith.constant 0 : i32
      %dma_wait3A_98 = tpu.memref_slice %arg3[%add3A, %dma_wait3A, %dma_wait3A_97] : memref<32x8x16xf32, #tpu.memory_space<hbm>> -> memref<1x8x16xf32, #tpu.memory_space<hbm>>
      %dma_wait3A_99 = tpu.memref_squeeze %dma_wait3A_98 : memref<1x8x16xf32, #tpu.memory_space<hbm>> -> memref<8x16xf32, #tpu.memory_space<hbm>>
      %dma_wait3A_100 = arith.constant 0 : i32
      %dma_wait3A_101 = arith.constant 0 : i32
      %dma_wait3A_102 = tpu.memref_slice %arg3[%add3A, %dma_wait3A_100, %dma_wait3A_101] : memref<32x8x16xf32, #tpu.memory_space<hbm>> -> memref<1x8x16xf32, #tpu.memory_space<hbm>>
      %dma_wait3A_103 = tpu.memref_squeeze %dma_wait3A_102 : memref<1x8x16xf32, #tpu.memory_space<hbm>> -> memref<8x16xf32, #tpu.memory_space<hbm>>
      tpu.wait_dma2 semaphore(%run_scoped3A : memref<!tpu.dma_semaphore, #tpu.memory_space<semaphore_mem>>) src(%arg5 : memref<8x16xf32, #tpu.memory_space<vmem>>) dst(%dma_wait3A_103 : memref<8x16xf32, #tpu.memory_space<hbm>>)
      tpu.yield
    }) : () -> ()
    return
  }
}

module attributes {stable_mosaic.version = 14 : i64} {
  func.func @_tc_body(%arg0: i32, %arg1: i32, %arg2: memref<1x190x2048xf32, #tpu.memory_space<vmem>>, %arg3: memref<1x1x2048xf32, #tpu.memory_space<vmem>>) attributes {dimension_semantics = [#tpu.dimension_semantics<arbitrary>, #tpu.dimension_semantics<arbitrary>], iteration_bounds = array<i64: 8, 1>, scalar_prefetch = 0 : i64, scratch_operands = 0 : i64, tpu.core_type = #tpu.core_type<tc>, window_params = [{transform_indices = @transform_0, window_bounds = array<i64: 1, 190, 2048>}, {transform_indices = @transform_1, window_bounds = array<i64: 1, 1, 2048>}]} {
    %get3A = arith.constant 0 : index
    %get3A_0 = arith.constant 0 : index
    %get3A_1 = arith.constant 0 : index
    %get3A_2 = vector.load %arg2[%get3A, %get3A_0, %get3A_1] : memref<1x190x2048xf32, #tpu.memory_space<vmem>>, vector<1x190x2048xf32>
    %get3A_3 = vector.shape_cast %get3A_2 : vector<1x190x2048xf32> to vector<190x2048xf32>
    %reduce_max3A = arith.constant dense<0xFF800000> : vector<2048xf32>
    %reduce_max3A_4 = vector.multi_reduction <maximumf>, %get3A_3, %reduce_max3A [0] : vector<190x2048xf32> to vector<2048xf32>
    %broadcast_in_dim3A = vector.shape_cast %reduce_max3A_4 : vector<2048xf32> to vector<1x2048xf32>
    %eq3A = vector.broadcast %broadcast_in_dim3A : vector<1x2048xf32> to vector<190x2048xf32>
    %eq3A_5 = arith.cmpf oeq, %get3A_3, %eq3A : vector<190x2048xf32>
    %convert_element_type3A = arith.extui %eq3A_5 : vector<190x2048xi1> to vector<190x2048xi32>
    %convert_element_type3A_6 = arith.sitofp %convert_element_type3A : vector<190x2048xi32> to vector<190x2048xf32>
    %reduce_sum3A = arith.constant dense<0.000000e+00> : vector<2048xf32>
    %reduce_sum3A_7 = vector.multi_reduction <add>, %convert_element_type3A_6, %reduce_sum3A [0] : vector<190x2048xf32> to vector<2048xf32>
    %jit3A = arith.constant 0xFF800000 : f32
    %broadcast_in_dim3A_8 = vector.broadcast %jit3A : f32 to vector<190x2048xf32>
    %select_n3A = arith.select %eq3A_5, %broadcast_in_dim3A_8, %get3A_3 : vector<190x2048xi1>, vector<190x2048xf32>
    %reduce_max3A_9 = arith.constant dense<0xFF800000> : vector<2048xf32>
    %reduce_max3A_10 = vector.multi_reduction <maximumf>, %select_n3A, %reduce_max3A_9 [0] : vector<190x2048xf32> to vector<2048xf32>
    %gt3A = arith.constant 1.000000e+00 : f32
    %gt3A_11 = vector.broadcast %gt3A : f32 to vector<2048xf32>
    %gt3A_12 = arith.cmpf ogt, %reduce_sum3A_7, %gt3A_11 : vector<2048xf32>
    %select_n3A_13 = arith.select %gt3A_12, %reduce_max3A_4, %reduce_max3A_10 : vector<2048xi1>, vector<2048xf32>
    %add3A = arith.constant 9.99999993E-9 : f32
    %add3A_14 = vector.broadcast %add3A : f32 to vector<2048xf32>
    %add3A_15 = arith.addf %select_n3A_13, %add3A_14 : vector<2048xf32>
    %div3A = arith.divf %reduce_max3A_4, %add3A_15 : vector<2048xf32>
    %sub3A = arith.constant 1.000000e+00 : f32
    %sub3A_16 = vector.broadcast %sub3A : f32 to vector<2048xf32>
    %sub3A_17 = arith.subf %sub3A_16, %div3A : vector<2048xf32>
    %exp3A = math.exp %sub3A_17 : vector<2048xf32>
    %swap3A = arith.constant 0 : index
    %swap3A_18 = arith.constant 0 : index
    %swap3A_19 = arith.constant 0 : index
    %swap3A_20 = vector.load %arg3[%swap3A, %swap3A_18, %swap3A_19] : memref<1x1x2048xf32, #tpu.memory_space<vmem>>, vector<1x1x2048xf32>
    %swap3A_21 = vector.shape_cast %swap3A_20 : vector<1x1x2048xf32> to vector<2048xf32>
    %swap3A_22 = vector.shape_cast %exp3A : vector<2048xf32> to vector<1x1x2048xf32>
    tpu.vector_store %arg3[%swap3A, %swap3A_18, %swap3A_19], %swap3A_22 {strides = array<i32>} : memref<1x1x2048xf32, #tpu.memory_space<vmem>>, vector<1x1x2048xf32>,
    return
  }
  func.func @transform_0(%arg0: i32, %arg1: i32) -> (i32, i32, i32) {
    %add3A = arith.constant 7 : i32
    %add3A_0 = arith.addi %arg1, %add3A : i32
    %c0_i32 = arith.constant 0 : i32
    %c0_i32_1 = arith.constant 0 : i32
    return %arg0, %c0_i32, %add3A_0 : i32, i32, i32
  }
  func.func @transform_1(%arg0: i32, %arg1: i32) -> (i32, i32, i32) {
    %mul3A = arith.constant 1 : i32
    %mul3A_0 = arith.muli %arg0, %mul3A : i32
    %add3A = arith.addi %mul3A_0, %arg1 : i32
    %c0_i32 = arith.constant 0 : i32
    %c0_i32_1 = arith.constant 0 : i32
    %c0_i32_2 = arith.constant 0 : i32
    return %add3A, %c0_i32, %c0_i32_1 : i32, i32, i32
  }
}

module attributes {stable_mosaic.version = 14 : i64} {
  func.func @_tc_body(%arg0: i32, %arg1: i32, %arg2: memref<1x190x2048xf32, #tpu.memory_space<vmem>>, %arg3: memref<1x1x2048xf32, #tpu.memory_space<vmem>>) attributes {dimension_semantics = [#tpu.dimension_semantics<arbitrary>, #tpu.dimension_semantics<arbitrary>], iteration_bounds = array<i64: 8, 5>, scalar_prefetch = 0 : i64, scratch_operands = 0 : i64, tpu.core_type = #tpu.core_type<tc>, window_params = [{transform_indices = @transform_0, window_bounds = array<i64: 1, 190, 2048>}, {transform_indices = @transform_1, window_bounds = array<i64: 1, 1, 2048>}]} {
    %get3A = arith.constant 0 : index
    %get3A_0 = arith.constant 0 : index
    %get3A_1 = arith.constant 0 : index
    %get3A_2 = vector.load %arg2[%get3A, %get3A_0, %get3A_1] : memref<1x190x2048xf32, #tpu.memory_space<vmem>>, vector<1x190x2048xf32>
    %get3A_3 = vector.shape_cast %get3A_2 : vector<1x190x2048xf32> to vector<190x2048xf32>
    %reduce_max3A = arith.constant dense<0xFF800000> : vector<2048xf32>
    %reduce_max3A_4 = vector.multi_reduction <maximumf>, %get3A_3, %reduce_max3A [0] : vector<190x2048xf32> to vector<2048xf32>
    %broadcast_in_dim3A = vector.shape_cast %reduce_max3A_4 : vector<2048xf32> to vector<1x2048xf32>
    %eq3A = vector.broadcast %broadcast_in_dim3A : vector<1x2048xf32> to vector<190x2048xf32>
    %eq3A_5 = arith.cmpf oeq, %get3A_3, %eq3A : vector<190x2048xf32>
    %convert_element_type3A = arith.extui %eq3A_5 : vector<190x2048xi1> to vector<190x2048xi32>
    %convert_element_type3A_6 = arith.sitofp %convert_element_type3A : vector<190x2048xi32> to vector<190x2048xf32>
    %reduce_sum3A = arith.constant dense<0.000000e+00> : vector<2048xf32>
    %reduce_sum3A_7 = vector.multi_reduction <add>, %convert_element_type3A_6, %reduce_sum3A [0] : vector<190x2048xf32> to vector<2048xf32>
    %jit3A = arith.constant 0xFF800000 : f32
    %broadcast_in_dim3A_8 = vector.broadcast %jit3A : f32 to vector<190x2048xf32>
    %select_n3A = arith.select %eq3A_5, %broadcast_in_dim3A_8, %get3A_3 : vector<190x2048xi1>, vector<190x2048xf32>
    %reduce_max3A_9 = arith.constant dense<0xFF800000> : vector<2048xf32>
    %reduce_max3A_10 = vector.multi_reduction <maximumf>, %select_n3A, %reduce_max3A_9 [0] : vector<190x2048xf32> to vector<2048xf32>
    %gt3A = arith.constant 1.000000e+00 : f32
    %gt3A_11 = vector.broadcast %gt3A : f32 to vector<2048xf32>
    %gt3A_12 = arith.cmpf ogt, %reduce_sum3A_7, %gt3A_11 : vector<2048xf32>
    %select_n3A_13 = arith.select %gt3A_12, %reduce_max3A_4, %reduce_max3A_10 : vector<2048xi1>, vector<2048xf32>
    %add3A = arith.constant 9.99999993E-9 : f32
    %add3A_14 = vector.broadcast %add3A : f32 to vector<2048xf32>
    %add3A_15 = arith.addf %select_n3A_13, %add3A_14 : vector<2048xf32>
    %div3A = arith.divf %reduce_max3A_4, %add3A_15 : vector<2048xf32>
    %sub3A = arith.constant 1.000000e+00 : f32
    %sub3A_16 = vector.broadcast %sub3A : f32 to vector<2048xf32>
    %sub3A_17 = arith.subf %sub3A_16, %div3A : vector<2048xf32>
    %exp3A = math.exp %sub3A_17 : vector<2048xf32>
    %swap3A = arith.constant 0 : index
    %swap3A_18 = arith.constant 0 : index
    %swap3A_19 = arith.constant 0 : index
    %swap3A_20 = vector.load %arg3[%swap3A, %swap3A_18, %swap3A_19] : memref<1x1x2048xf32, #tpu.memory_space<vmem>>, vector<1x1x2048xf32>
    %swap3A_21 = vector.shape_cast %swap3A_20 : vector<1x1x2048xf32> to vector<2048xf32>
    %swap3A_22 = vector.shape_cast %exp3A : vector<2048xf32> to vector<1x1x2048xf32>
    tpu.vector_store %arg3[%swap3A, %swap3A_18, %swap3A_19], %swap3A_22 {strides = array<i32>} : memref<1x1x2048xf32, #tpu.memory_space<vmem>>, vector<1x1x2048xf32>,
    return
  }
  func.func @transform_0(%arg0: i32, %arg1: i32) -> (i32, i32, i32) {
    %add3A = arith.constant 2 : i32
    %add3A_0 = arith.addi %arg1, %add3A : i32
    %c0_i32 = arith.constant 0 : i32
    %c0_i32_1 = arith.constant 0 : i32
    return %arg0, %c0_i32, %add3A_0 : i32, i32, i32
  }
  func.func @transform_1(%arg0: i32, %arg1: i32) -> (i32, i32, i32) {
    %mul3A = arith.constant 5 : i32
    %mul3A_0 = arith.muli %arg0, %mul3A : i32
    %add3A = arith.addi %mul3A_0, %arg1 : i32
    %c0_i32 = arith.constant 0 : i32
    %c0_i32_1 = arith.constant 0 : i32
    %c0_i32_2 = arith.constant 0 : i32
    return %add3A, %c0_i32, %c0_i32_1 : i32, i32, i32
  }
}

</mosaic_0001>

<sc_bundles>
// kernel: kernel.5.cloned.1.call-start
scs
__scs_entry_jumppad:
0x0: {  	(pc) =	sbr.rel $0x88, $3  }
0x1: {  	(tag) =	ssettag $0x0;
	lr =	simm.s32 $0x1  }
0x2: {  	[smem:$0x3FA0] =	sst lr;
	_ =	strace $0xD0000000  }
0x3: {  	_ = 	snop  }
0x4: {  	_ = 	snop  }
0x5: {  	_ = 	snop  }
0x6: {  	_ = 	snop  }
0x7: {  	_ = 	snop  }
__scs_overlays_trampoline_lowered:
0x8: {  	[smem:$0x3FAF] =	sst s0  }
0x9: {  	[smem:$0x3FB0] =	sst s1  }
0xa: {  	[smem:$0x3FB1] =	sst s2  }
0xb: {  	[smem:$0x3FB2] =	sst s3  }
0xc: {  	[smem:$0x3FB3] =	sst s4  }
0xd: {  	[smem:$0x3FB4] =	sst s5  }
0xe: {  	[smem:$0x3FB5] =	sst s6  }
0xf: {  	[smem:$0x3FB6] =	sst s7  }
0x10: {  	[smem:$0x3FB7] =	sst s8  }
0x11: {  	[smem:$0x3FB8] =	sst s9;
	s0 =	simm.s32 @!p0 $0x0  }
0x12: {  	s1 =	sld [smem:$0x3F9E];
	s0 =	simm.s32 @p0 $0x1  }
0x13: {  	[smem:$0x3FB9] =	sst s0;
	s0 =	simm.s32 @!p1 $0x0  }
0x14: {  	s2 =	sld [smem:$0x3F9D];
	s0 =	simm.s32 @p1 $0x1  }
0x15: {  	[smem:$0x3FBA] =	sst s0;
	s0 =	simm.s32 @!p2 $0x0  }
0x16: {  	s3 =	sld [smem:$0x3FDB];
	s0 =	simm.s32 @p2 $0x1  }
0x17: {  	s4 =	simm.s32 $0x1BF5;
	[smem:$0x3FBC] =	sst s0  }
0x18: {  	s0 =	sld [smem:$0x3F9F];
	_ =	swait.ge [sflag:s4], $0x0  }
0x19: {  	s7 =	sld [smem:$0x3FA0]  }
0x1a: {  	s8 =	sadd.s32 $0xFFFFE003, lr  }
0x1b: {  	s9 =	sadd.s32 $0xFFFFFEF7, lr;
	s5 =	simm.s32 $0xFFFFFFFF;
	p2 =	slt.u32 s8, $0xFFFFF086  }
0x1c: {  	p1 =	slt.u32 s9, $0xF7A;
	s5 =	simm.s32 @!p2 $0x0  }
0x1d: {  	s5 =	simm.s32 @p1 $0x1;
	p0 =	seq.s32 s7, s2  }
0x1e: {  	s7 =	smul.u32 @!p0 $0xF7A, s2;
	p2 =	seq.s32 @!p0 s5, $0x0  }
0x1f: {  	s9 =	smul.u32 $0xF7A, s1;
	s8 =	simm.s32 @!p0 $0x1BF5;
	p2 =	por !p2, p0  }
0x20: {  	[sflag:s8] =	ssyncset.s32 @!p0 $0xFFFFF086;
	s6 =	sadd.s32 @!p0 s3, s7;
	s7 =	simm.s32 @!p0 $0x108  }
0x21: {  	s3 =	sadd.s32 s3, s9;
	s6 =	sadd.s32 @!p0 $0x88, s6;
	s7 =	simm.s32 @p2 $0x1082  }
0x22: {  	[simem:s7], [sflag:s8] =	dma.local @!p0 [hbm:s6], $0xF7A  }
0x23: {  	s9 =	sor.u32 $0xD0000000, s2;
	s6 =	simm.s32 $0x108;
	_ =	swait.ge @!p0 [sflag:s8], $0x0  }
0x24: {  	s3 =	sadd.s32 $0x88, s3;
	s6 =	simm.s32 @!p1 $0x1082;
	[sflag:s4] =	ssyncset.s32 $0xFFFFF086  }
0x25: {  	[simem:s6], [sflag:s4] =	dma.local [hbm:s3], $0xF7A  }
0x26: {  	[smem:$0x3FA0] =	sst s1;
	(tag) =	ssettag s2;
	_ =	strace s9  }
0x27: {  	s1 =	sld [smem:$0x3FB0]  }
0x28: {  	s2 =	sld [smem:$0x3FB1]  }
0x29: {  	s4 =	sld [smem:$0x3FB3]  }
0x2a: {  	p0 =	seq.s32 s5, $0x0;
	s5 =	sld [smem:$0x3FB4]  }
0x2b: {  	s6 =	sld [smem:$0x3FB5]  }
0x2c: {  	s7 =	sld [smem:$0x3FB6]  }
0x2d: {  	s3 =	simm.s32 $0x108;
	s8 =	sld [smem:$0x3FB7]  }
0x2e: {  	s3 =	simm.s32 @!p0 $0x1082;
	s9 =	sld [smem:$0x3FB8]  }
0x2f: {  	lr =	sadd.s32 s0, s3;
	s0 =	sld [smem:$0x3FAF]  }
0x30: {  	s3 =	sld [smem:$0x3FB2]  }
0x31: {  	[smem:$0x3FBB] =	sst s10  }
0x32: {  	s10 =	sld [smem:$0x3FB9];
	_ =	sdelay $0x3  }
0x33: {  	p0 =	seq.s32 s10, $0x1;
	s10 =	sld [smem:$0x3FBB];
	_ =	sdelay $0x3  }
0x34: {  	[smem:$0x3FBB] =	sst s10  }
0x35: {  	s10 =	sld [smem:$0x3FBA];
	_ =	sdelay $0x3  }
0x36: {  	p1 =	seq.s32 s10, $0x1;
	s10 =	sld [smem:$0x3FBB];
	_ =	sdelay $0x3  }
0x37: {  	[smem:$0x3FBB] =	sst s10  }
0x38: {  	s10 =	sld [smem:$0x3FBC]  }
0x39: {  	_ = 	snop;
	(pc) =	sbr.ind lr, $3  }
0x3a: {  	_ = 	snop  }
0x3b: {  	_ = 	snop  }
0x3c: {  	p2 =	seq.s32 s10, $0x1;
	s10 =	sld [smem:$0x3FBB]  }
0x3d: {  	_ =	shalt  }
0x3e: {  	_ =	shalt  }
0x3f: {  	_ =	shalt  }
0x40: {  	_ =	shalt  }
0x41: {  	_ =	shalt  }
0x42: {  	_ =	shalt  }
0x43: {  	_ =	shalt  }
0x44: {  	_ =	shalt  }
0x45: {  	_ =	shalt  }
0x46: {  	_ =	shalt  }
0x47: {  	_ =	shalt  }
0x48: {  	_ =	shalt  }
0x49: {  	_ =	shalt  }
0x4a: {  	_ =	shalt  }
0x4b: {  	_ =	shalt  }
0x4c: {  	_ =	shalt  }
0x4d: {  	_ =	shalt  }
0x4e: {  	_ =	shalt  }
0x4f: {  	_ =	shalt  }
0x50: {  	_ =	shalt  }
0x51: {  	_ =	shalt  }
0x52: {  	_ =	shalt  }
0x53: {  	_ =	shalt  }
0x54: {  	_ =	shalt  }
0x55: {  	_ =	shalt  }
0x56: {  	_ =	shalt  }
0x57: {  	_ =	shalt  }
0x58: {  	_ =	shalt  }
0x59: {  	_ =	shalt  }
0x5a: {  	_ =	shalt  }
0x5b: {  	_ =	shalt  }
0x5c: {  	_ =	shalt  }
0x5d: {  	_ =	shalt  }
0x5e: {  	_ =	shalt  }
0x5f: {  	_ =	shalt  }
0x60: {  	_ =	shalt  }
0x61: {  	_ =	shalt  }
0x62: {  	_ =	shalt  }
0x63: {  	_ =	shalt  }
0x64: {  	_ =	shalt  }
0x65: {  	_ =	shalt  }
0x66: {  	_ =	shalt  }
0x67: {  	_ =	shalt  }
0x68: {  	_ =	shalt  }
0x69: {  	_ =	shalt  }
0x6a: {  	_ =	shalt  }
0x6b: {  	_ =	shalt  }
0x6c: {  	_ =	shalt  }
0x6d: {  	_ =	shalt  }
0x6e: {  	_ =	shalt  }
0x6f: {  	_ =	shalt  }
0x70: {  	_ =	shalt  }
0x71: {  	_ =	shalt  }
0x72: {  	_ =	shalt  }
0x73: {  	_ =	shalt  }
0x74: {  	_ =	shalt  }
0x75: {  	_ =	shalt  }
0x76: {  	_ =	shalt  }
0x77: {  	_ =	shalt  }
0x78: {  	_ =	shalt  }
0x79: {  	_ =	shalt  }
0x7a: {  	_ =	shalt  }
0x7b: {  	_ =	shalt  }
0x7c: {  	_ =	shalt  }
0x7d: {  	_ =	shalt  }
0x7e: {  	_ =	shalt  }
0x7f: {  	_ =	shalt  }
0x80: {  	_ =	shalt  }
0x81: {  	_ =	shalt  }
0x82: {  	_ =	shalt  }
0x83: {  	_ =	shalt  }
0x84: {  	_ =	shalt  }
0x85: {  	_ =	shalt  }
0x86: {  	_ =	shalt  }
0x87: {  	_ =	shalt  }
.Lfunc_end0:
.L_simem_size_0:
called_computation_lowered:
.L_overlay_start_0:
0x88: {  	s2 =	sld [smem:$0x3FD9]  }
0x89: {  	s3 =	sld [smem:$0x3FFE];
	_ =	sdelay $0x1  }
0x8a: {  	s1 =	srdreg.scid  }
0x8b: {  	s0 =	sand.u32 $0x1, s1  }
0x8c: {  	s16 =	sshll.u32 s0, $0xA;
	s2 =	sadd.s32 s3, s2  }
0x8d: {  	s2 =	sadd.s32 s2, s16  }
0x8e: {  	[smem:$0x3FC7] =	sst s2  }
0x8f: {  	_ = 	snop  }
0x90: {  	(tm) =	ssettm $0x1  }
0x91: {  	s17 =	sld [smem:$0x3FFB];
	_ =	sdelay $0x3  }
0x92: {  	_ =	strace s17  }
0x93: {  	s2 =	sld [smem:$0x3FFC];
	_ =	sdelay $0x3  }
0x94: {  	_ =	strace s2  }
0x95: {  	s2 =	sld [smem:$0x3FFD];
	_ =	sdelay $0x3  }
0x96: {  	_ =	strace s2  }
0x97: {  	_ =	strace $0x8FFFFFFF  }
0x98: {  	s18 =	sld [smem:$0x3FDB];
	_ =	sdelay $0x1  }
0x99: {  	s19 =	simm.s32 $_scs_section_size  }
0x9a: {  	s4 =	simm.s32 $_size__tile_overlayer_lowered;
	s5 =	simm.s32 $_tile_overlayer_lowered  }
0x9b: {  	s22 =	simm.s32 $0x1BFF;
	s21 =	sshll.u32 s5, $0x1;
	s2 =	sadd.s32 s19, s18  }
0x9c: {  	s6 =	simm.s32 $0x0;
	s20 =	sshll.u32 s4, $0x1;
	s4 =	sadd.s32 s21, s2  }
0x9d: {  	[timem:s6], [sflag:s22] =	dma.local [hbm:s4], s20  }
0x9e: {  	_ =	swait.ge [sflag:s22], s20  }
0x9f: {  	s3 =	ssub.s32 $0x0, s20;
	[sflag:s22] =	ssyncset.done $0x0  }
0xa0: {  	[sflag:s22] =	ssyncadd.s32 s3;
	_ =	sdelay $0x1  }
0xa1: {  	s23 =	simm.s32 $0x1B8B  }
0xa2: {  	_ =	swait.ge [sflag:s23], $0x1  }
0xa3: {  	[sflag:s23] =	ssyncset.done $0x0  }
0xa4: {  	s25 =	simm.s32 $0x1B8E;
	s24 =	sld [smem:$0x3FFE];
	[sflag:s23] =	ssyncadd.s32 $0xFFFFFFFF  }
0xa5: {  	s26 =	simm.s32 $execute0_lowered;
	[smem:$0x3FD2] =	sst s25  }
0xa6: {  	s4 =	sshll.u32 s26, $0x1;
	_ =	strace $0x80000046;
	[dreg:$0x1] =	wrdreg $0xFFFFFFFF  }
0xa7: {  	s28 =	simm.s32 $_size_execute0_lowered;
	s2 =	sadd.s32 s2, s4;
	[dreg:$0x0] =	wrdreg $0x0  }
0xa8: {  	s4 =	sshll.u32 s28, $0x1;
	[dreg:$0x2] =	wrdreg s2  }
0xa9: {  	[dreg:$0x3] =	wrdreg s4  }
0xaa: {  	[dreg:$0x4] =	wrdreg $0xC0  }
0xab: {  	_ =	task [dreg:s6], $0x5FFFF  }
0xac: {  	[dreg:$0x1] =	wrdreg $0xFFFFFFFF  }
0xad: {  	[dreg:$0x0] =	wrdreg $0x60  }
0xae: {  	[dreg:$0x2] =	wrdreg s24  }
0xaf: {  	[dreg:$0x3] =	wrdreg $0x9  }
0xb0: {  	_ =	task.clear_ibuf [dreg:s6], $0x4FFFF;
	_ =	strace $0x90000046  }
0xb1: {  	s29 =	simm.s32 $0x9;
	_ =	strace $0x80000048  }
0xb2: {  	_ =	swait.ge [sflag:s29], $0x1  }
0xb3: {  	[sflag:s29] =	ssyncadd.s32 $0xFFFFFFFF  }
0xb4: {  	_ =	strace $0x90000048  }
0xb5: {  	_ =	sfence  }
0xb6: {  	s30 =	sld [smem:$0x0];
	_ =	sdelay $0x2  }
0xb7: {  	s31 =	sshll.u32 s1, $0xD;
	s1 =	sshrl.u32 s1, $0x2  }
0xb8: {  	s3 =	sand.u32 $0x4000, s31;
	s1 =	sadd.s32 s1, s30  }
0xb9: {  	s0 =	sor.u32 s3, s0;
	s1 =	sshll.u32 s1, $0x11  }
0xba: {  	s0 =	sor.u32 s1, s0  }
0xbb: {  	s0 =	sadd.s32 $0x8F2B, s0  }
0xbc: {  	[sflag:s0] =	ssyncadd.remote.s32 $0x1  }
0xbd: {  	_ =	sfence.sel $0xFFFF  }
0xbe: {  	[dreg:$0x0] =	wrdreg $0xFFFFFFFF;
	(pc) =	sbr.abs _section_cstart, $3  }
0xbf: {  	[dreg:$0x1] =	wrdreg $0xFFFFFFFF  }
0xc0: {  	_ =	task.clear_ibuf [dreg:s6], $0x2FFFF;
	_ =	strace $0x9FFFFFFF  }
0xc1: {  	(tm) =	ssettm $0x7FFFFFFF  }
tec
execute0_lowered:
.L_overlay_start_1:
0x0: {  	(tag) =	ssettag $0x1  }
0x1: {  	s1 =	srdreg.scid;
	s0 =	stileid.u32  }
0x2: {  	s2 =	rddreg [dreg:$0x0];
	s3 =	simm.s32 $0x0;
	s9 =	simm.s32 $0x400  }
0x3: {  	s10 =	simm.s32 $0x20000;
	s11 =	simm.s32 $0x5C00;
	s12 =	simm.s32 $0x1  }
0x4: {  	s13 =	simm.s32 $0xC000;
	s14 =	simm.s32 $0x2;
	s15 =	simm.s32 $0x0  }
0x5: {  	s4 =	sand.u32 $0x1, s1;
	s5 =	sshll.u32 s0, $0x1;
	s1 =	rddreg [dreg:$0x1]  }
0x6: {  	[smem:$0x7FF] =	sst s3;
	s5 =	sor.u32 s4, s5;
	s6 =	ssub.s32 $0x2, s4  }
0x7: {  	_ =	strace $0x80000047;
	s31 =	sshll.u32 s5, $0x7;
	s7 =	sshrl.u32 s6, $0x1  }
0x8: {  	s5 =	sshll.u32 s5, $0xA;
	s4 =	sadd.s32 s2, s31;
	s8 =	ssub.s32 s6, s7  }
0x9: {  	v0 =	vimm.f32 $0.0e+00;
	s6 =	sadd.s32 $0x5C000, s4;
	s7 =	sadd.s32 $0x300000, s4;
	s8 =	smax.u32 s8, $0x1  }
.LBB2_1:
0xa: {  	[tilespmem:s3], [sflag:$0x1] =	stream.strided.gather [hbm4b:s4+s9], $0x5C00, s10, s9, $0x38;
	[tilespmem:$0xC400] =	vst v63  }
0xb: {  	_ = 	snop  }
0xc: {  	[tilespmem:s11], [sflag:$0x1] =	stream.linear.gather [hbm4b:s6+s3], $0x300, $0x38;
	[tilespmem:$0xC400] =	vst v63  }
0xd: {  	[tilespmem:$0xC000] =	vst v0  }
0xe: {  	[tilespmem:$0xC080] =	vst v0  }
0xf: {  	[tilespmem:$0xC100] =	vst v0  }
0x10: {  	[tilespmem:$0xC180] =	vst v0  }
0x11: {  	[tilespmem:$0xC200] =	vst v0  }
0x12: {  	[tilespmem:$0xC280] =	vst v0  }
0x13: {  	[tilespmem:$0xC300] =	vst v0  }
0x14: {  	s17 =	simm.s32 $0x0;
	[tilespmem:$0xC380] =	vst v0  }
.LBB2_2:
0x15: {  	s16 =	sadd.s32 $0x1, s17;
	p0 =	seq.s32 s17, $0x7  }
0x16: {  	_ =	swait.ge [sflag:s12], $0x5F00;
	s29 =	sand.u32 $0x1, s17;
	s18 =	smul.u32 @!p0 $0x300000, s16  }
0x17: {  	s19 =	sand.u32 @!p0 $0x1, s16;
	[sflag:s12] =	ssyncset.done $0x0;
	s20 =	simm.s32 @!p0 $0x400  }
0x18: {  	s21 =	simm.s32 @!p0 $0x20000;
	p1 =	seq.s32 @!p0 s19, $0x1;
	s18 =	sor.u32 @!p0 s5, s18  }
0x19: {  	s19 =	simm.s32 @!p0 $0x6000;
	p1 =	por !p1, p0;
	s18 =	sshrl.u32 @!p0 s18, $0x3  }
0x1a: {  	[sflag:s12] =	ssyncadd.s32 $0xFFFFA100;
	s19 =	simm.s32 @p1 $0x0;
	s18 =	sadd.s32 @!p0 s2, s18  }
0x1b: {  	[tilespmem:s19], [sflag:$0x1] =	stream.strided.gather @!p0 [hbm4b:s18+s20], $0x5C00, s21, s20, $0x38;
	[tilespmem:$0xC400] =	vst v63  }
0x1c: {  	s18 =	sadd.s32 @!p0 $0x5C000, s18;
	s19 =	sadd.s32 @!p0 $0x5C00, s19;
	s20 =	simm.s32 @!p0 $0x0  }
0x1d: {  	[tilespmem:s19], [sflag:$0x1] =	stream.linear.gather @!p0 [hbm4b:s18+s20], $0x300, $0x38;
	[tilespmem:$0xC400] =	vst v63  }
0x1e: {  	p0 =	seq.s32 s29, $0x1;
	s18 =	simm.s32 $0x6000  }
0x1f: {  	s18 =	simm.s32 @!p0 $0x0  }
0x20: {  	s30 =	sadd.s32 $0x5E00, s18;
	s31 =	sadd.s32 $0x5E80, s18  }
0x21: {  	v1 =	vimm.f32 $0.0e+00;
	s19 =	simm.s32 $0x0;
	s18 =	sor.u32 $0x100, s18;
	v2 =	vmov s30;
	v3 =	vmov s31  }
.LBB2_3:
0x22: {  	v6 =	vmov s18;
	_ =	sdelay $0x3  }
0x23: {  	s20 =	simm.s32 $0x0  }
0x24: {  	v7 =	vld.idx.msk [tilespmem:v6+s20+$0x80 ss:$0x1], $0xffff  }
0x25: {  	v5 =	vld.idx.msk [tilespmem:v6+s20+$0xFFFFFF00 ss:$0x1], $0xffff  }
0x26: {  	v13 =	vld.idx.msk [tilespmem:v6+s20+$0xFFFFFF80 ss:$0x1], $0xffff  }
0x27: {  	v14 =	vld.idx.msk [tilespmem:v6+s20+$0x0 ss:$0x1], $0xffff;
	_ =	sdelay $0x1  }
0x28: {  	v8 =	vimm.f32 $-Inf;
	s22 =	simm.s32 $0x200  }
0x29: {  	v4 =	vld.idx.msk [tilespmem:v6+s22+$0x80 ss:$0x1], $0xffff;
	v11 =	vmin.f32 v8, v7;
	v12 =	vmin.f32 v8, v5  }
0x2a: {  	v10 =	vld.idx.msk [tilespmem:v6+s22+$0xFFFFFF00 ss:$0x1], $0xffff;
	v9 =	vmax.f32 v8, v5;
	v16 =	vmin.f32 v8, v13;
	v13 =	vmax.f32 v8, v13  }
0x2b: {  	v18 =	vmin.f32 v8, v14;
	v5 =	vmax.f32 v8, v11;
	v11 =	vmax.f32 v8, v12;
	v12 =	vld.idx.msk [tilespmem:v6+s22+$0xFFFFFF80 ss:$0x1], $0xffff  }
0x2c: {  	s21 =	simm.s32 $0x1000;
	s20 =	sshll.u32 s19, $0x4;
	v15 =	vld.idx.msk [tilespmem:v6+s22+$0x0 ss:$0x1], $0xffff;
	v17 =	vmax.f32 v8, v16;
	v16 =	vmax.f32 v8, v14;
	v14 =	vmax.f32 v8, v18  }
.LBB2_4:
0x2d: {  	s22 =	sshra.s32 s21, $0x2;
	p0 =	sne.s32 s21, $0x17000;
	s21 =	sadd.s32 $0x800, s21;
	v8 =	vmax.f32 v8, v7  }
.Ltmp0:
0x2e: {  	v7 =	vmov v4;
	v18 =	vmin.f32 v8, v4;
	v4 =	vld.idx.msk [tilespmem:v6+s22+$0x80 ss:$0x1], $0xffff;
	(pc) =	sbr.rel @p0 .LBB2_4-.Ltmp0, $4  }
0x2f: {  	v19 =	vmin.f32 v9, v10;
	v9 =	vmax.f32 v9, v10;
	v10 =	vld.idx.msk [tilespmem:v6+s22+$0xFFFFFF00 ss:$0x1], $0xffff;
	v5 =	vmax.f32 v5, v18  }
0x30: {  	v11 =	vmax.f32 v11, v19;
	v18 =	vmin.f32 v13, v12;
	v13 =	vmax.f32 v13, v12;
	v12 =	vld.idx.msk [tilespmem:v6+s22+$0xFFFFFF80 ss:$0x1], $0xffff  }
0x31: {  	v17 =	vmax.f32 v17, v18;
	v18 =	vmin.f32 v16, v15;
	v16 =	vmax.f32 v16, v15;
	v15 =	vld.idx.msk [tilespmem:v6+s22+$0x0 ss:$0x1], $0xffff  }
0x32: {  	v14 =	vmax.f32 v14, v18  }
0x33: {  	v6 =	vmax.f32 v8, v7  }
0x34: {  	v7 =	vmin.f32 v6, v4;
	v51 =	vmin.f32 v9, v10  }
0x35: {  	v52 =	vmax.f32 v9, v10;
	v8 =	vmax.f32 v11, v51;
	v53 =	vmin.f32 v13, v12  }
0x36: {  	v54 =	vmax.f32 v13, v12;
	v10 =	vmax.f32 v17, v53;
	v55 =	vmin.f32 v16, v15  }
0x37: {  	v58 =	vld.idx.msk [tilespmem:v2+s20+$0x0 ss:$0x1], $0xffff;
	v56 =	vmax.f32 v16, v15;
	v57 =	vmin.f32 v52, v54;
	v8 =	vmax.f32 v8, v10  }
0x38: {  	v59 =	vld.idx.msk [tilespmem:v3+s20+$0x0 ss:$0x1], $0xffff;
	v9 =	vmax.f32 v52, v54;
	v12 =	vmax.f32 v14, v55;
	v8 =	vmax.f32 v57, v8  }
0x39: {  	v4 =	vmax.f32 v6, v4;
	v60 =	vmin.f32 v9, v56;
	v8 =	vmax.f32 v8, v12  }
0x3a: {  	v5 =	vmax.f32 v5, v7;
	v61 =	vmax.f32 v9, v56;
	v7 =	vmax.f32 v60, v8  }
0x3b: {  	v62 =	vmax.f32 v61, v4;
	v4 =	vmin.f32 v61, v4;
	v5 =	vmax.f32 v7, v5  }
0x3c: {  	v63 =	vmax.f32 v62, v58;
	v4 =	vmax.f32 v4, v5;
	v5 =	vmin.f32 v62, v58  }
0x3d: {  	v4 =	vmax.f32 v4, v5;
	v5 =	vmin.f32 v63, v59  }
0x3e: {  	v4 =	vmax.f32 v4, v5  }
0x3f: {  	v4 =	vadd.f32 $9.999999930e-09, v4;
	_ =	sdelay $0x1  }
0x40: {  	(erf) = vrcp.f32 v4;
	_ =	sdelay $0x8  }
0x41: {  	v4 =	vmax.f32 v63, v59;
	v5 =	vpop (erf)  }
0x42: {  	v4 =	vmul.f32 v5, v4;
	_ =	sdelay $0x1  }
0x43: {  	v4 =	vsub.f32 $1.000000000e+00, v4;
	_ =	sdelay $0x1  }
0x44: {  	v4 =	vmul.f32 $1.442695020e+00, v4;
	_ =	sdelay $0x1  }
0x45: {  	(erf) = vpow2.f32 v4;
	_ =	sdelay $0x3  }
0x46: {  	s19 =	sadd.s32 $0x1, s19  }
0x47: {  	p0 =	sne.s32 s19, $0x8  }
.Ltmp1:
0x48: {  	_ = 	snop;
	(pc) =	sbr.rel @p0 .LBB2_3-.Ltmp1, $3  }
0x49: {  	_ =	sdelay $0x1  }
0x4a: {  	v4 =	vpop (erf)  }
0x4b: {  	s18 =	sadd.s32 $0x10, s18;
	v1 =	vadd.f32 v4, v1  }
0x4c: {  	s17 =	sshll.u32 s17, $0x7  }
0x4d: {  	s17 =	sand.u32 $0x3FFFFF80, s17  }
0x4e: {  	v2 =	vld [tilespmem:s17+$0xC000];
	_ =	sdelay $0x1  }
0x4f: {  	p0 =	sne.s32 s16, $0x8  }
.Ltmp2:
0x50: {  	_ = 	snop;
	(pc) =	sbr.rel @p0 .LBB2_2-.Ltmp2, $3  }
0x51: {  	_ = 	snop  }
0x52: {  	v1 =	vadd.f32 v2, v1;
	_ =	sdelay $0x1  }
0x53: {  	[tilespmem:s17+$0xC000] =	vst v1;
	s17 =	smov.u32 s16  }
0x54: {  	s15 =	sadd.s32 $0x1, s15  }
0x55: {  	p0 =	sne.s32 s15, s8  }
.Ltmp3:
0x56: {  	_ = 	snop;
	(pc) =	sbr.rel @p0 .LBB2_1-.Ltmp3, $4  }
0x57: {  	[hbm4b:s7+s3] =	stream.linear.scatter [tilespmem:s13], [sflag:$0x2], $0x400, $0x38;
	[tilespmem:$0xC400] =	vst v63  }
0x58: {  	_ =	swait.ge [sflag:s14], $0x400  }
0x59: {  	[sflag:s14] =	ssyncset.done $0x0  }
0x5a: {  	[sflag:s14] =	ssyncadd.s32 $0xFFFFFC00  }
0x5b: {  	_ =	sfence.sel $0x180000  }
0x5c: {  	[bflag:$0x0] =	sbarrier.arrive $0xFFFF  }
0x5d: {  	p0 =	sne.s32 s0, $0x0;
	_ =	strace $0x90000047  }
0x5e: {  	s0 =	sadd.s32 @!p0 $0x100000, s1;
	[bflag:$0x2] =	sbarrier.arrive $0xFFFF  }
0x5f: {  	[sflag:s0] =	ssyncadd.tile.s32 @!p0 $0x1;
	_ =	shalt  }
.Lfunc_end2:
_tile_overlayer_lowered:
.L_overlay_start_2:
0x60: {  	(tag) =	ssettag $0x2  }
0x61: {  	s0 =	rddreg [dreg:$0x0];
	s2 =	stileid.u32  }
0x62: {  	s1 =	rddreg [dreg:$0x1];
	p0 =	sne.s32 s2, $0x0  }
0x63: {  	s3 =	rddreg [dreg:$0x2];
	[bflag:$0x3] =	sbarrier.arrive $0xFFFF;
	s2 =	simm.s32 @!p0 $0x1C02  }
0x64: {  	[timem:s3], [sflag:s2] =	dma.local @!p0 [hbm:s0], s1  }
0x65: {  	s0 =	simm.s32 @!p0 $0x2  }
0x66: {  	_ =	swait.ge @!p0 [sflag:s0], s1  }
0x67: {  	s1 =	ssub.s32 @!p0 $0x0, s1;
	[sflag:s0] =	ssyncset.done @!p0 $0x0  }
0x68: {  	[sflag:s0] =	ssyncadd.s32 @!p0 s1  }
0x69: {  	[bflag:$0x3] =	sbarrier.arrive $0xFFFF  }
0x6a: {  	_ =	shalt  }

</sc_bundles>
